<compile_context>
chip_gen: v7x
topology: tpu7x:2x2x1
jax: 0.10.2.dev20260603
libtpu: 0.0.44.dev20260713+nightly
codegen_flags: <defaults>
</compile_context>

<pallas_src>
import jax
import jax.numpy as jnp
from jax.experimental import pallas as pl
from jax.experimental.pallas import tpu as pltpu

P = 512
EMB = 32
H = 64
N = P * P
R = 2048


def _lstm_block(corr_ref, ht_ref, ct_ref, mask_ref,
                wemb_ref, bemb_ref, wih_ref, whh_ref, bias_ref,
                hout_ref, cout_ref):
    corr = corr_ref[...]
    ht = ht_ref[...]
    ct = ct_ref[...]
    m = mask_ref[...]

    emb = jnp.maximum(
        corr[:, 0:1] * wemb_ref[0:1, :] + corr[:, 1:2] * wemb_ref[1:2, :]
        + bemb_ref[...], 0.0)

    gates = (jnp.dot(emb, wih_ref[...], preferred_element_type=jnp.float32)
             + jnp.dot(ht, whh_ref[...], preferred_element_type=jnp.float32)
             + bias_ref[...])

    i_g = jax.nn.sigmoid(gates[:, 0 * H:1 * H])
    f_g = jax.nn.sigmoid(gates[:, 1 * H:2 * H])
    g_g = jnp.tanh(gates[:, 2 * H:3 * H])
    o_g = jax.nn.sigmoid(gates[:, 3 * H:4 * H])

    c_new = f_g * ct + i_g * g_g
    h_new = o_g * jnp.tanh(c_new)

    hout_ref[...] = ht + m * (h_new - ht)
    cout_ref[...] = ct + m * (c_new - ct)


def kernel(corr_index, rela_ht, rela_ct, nei_index, W_emb, b_emb, W_ih, b_ih, W_hh, b_hh):
    corr = corr_index.reshape(N, 2)
    ht = rela_ht.reshape(N, H)
    ct = rela_ct.reshape(N, H)
    mask = (nei_index.reshape(N, 1) > 0).astype(jnp.float32)

    wemb = W_emb.T
    bemb = b_emb.reshape(1, EMB)
    wih = W_ih.T
    whh = W_hh.T
    bias = (b_ih + b_hh).reshape(1, 4 * H)

    grid = (N // R,)
    row_spec = lambda w: pl.BlockSpec((R, w), lambda i: (i, 0))
    full = lambda a: pl.BlockSpec(a.shape, lambda i: (0, 0))

    hout, cout = pl.pallas_call(
        _lstm_block,
        grid=grid,
        in_specs=[
            row_spec(2), row_spec(H), row_spec(H), row_spec(1),
            full(wemb), full(bemb), full(wih), full(whh), full(bias),
        ],
        out_specs=[row_spec(H), row_spec(H)],
        out_shape=[
            jax.ShapeDtypeStruct((N, H), jnp.float32),
            jax.ShapeDtypeStruct((N, H), jnp.float32),
        ],
        compiler_params=pltpu.CompilerParams(
            dimension_semantics=("arbitrary",),
        ),
    )(corr, ht, ct, mask, wemb, bemb, wih, whh, bias)

    return (hout.reshape(P, P, H), cout.reshape(P, P, H))

# --- scband reference (transcript-rebuilt; emitter-appended) ---
"""Pipeline reference for scband-sra-lstm-16716012716120 (READ-ONLY COPY).

The authoritative reference and input builder live on the scoring server;
editing this copy changes nothing except your own understanding.
"""

import jax, jax.numpy as jnp
import numpy as np

P = 512
EMB = 32
H = 64


def setup_inputs(seed: int = 0) -> dict:
    key = jax.random.key(seed)
    ks = jax.random.split(key, 10)
    corr_index = jax.random.normal(ks[0], (P, P, 2), dtype=jnp.float32)
    rela_ht = jax.random.normal(ks[1], (P, P, H), dtype=jnp.float32)
    rela_ct = jax.random.normal(ks[2], (P, P, H), dtype=jnp.float32)
    nei_index = jax.random.randint(ks[3], (P, P), 0, 2, dtype=jnp.int32)
    # Learned parameters (per RelationEncoder init: Linear(2, EMB) with std=0.3, bias 0; LSTMCell(EMB, H))
    W_emb = 0.3 * jax.random.normal(ks[4], (EMB, 2), dtype=jnp.float32)
    b_emb = jnp.zeros((EMB,), dtype=jnp.float32)
    k_lstm = 1.0 / np.sqrt(H)
    W_ih = jax.random.uniform(ks[5], (4 * H, EMB), dtype=jnp.float32, minval=-k_lstm, maxval=k_lstm)
    W_hh = jax.random.uniform(ks[6], (4 * H, H), dtype=jnp.float32, minval=-k_lstm, maxval=k_lstm)
    b_ih = jax.random.uniform(ks[7], (4 * H,), dtype=jnp.float32, minval=-k_lstm, maxval=k_lstm)
    b_hh = jax.random.uniform(ks[8], (4 * H,), dtype=jnp.float32, minval=-k_lstm, maxval=k_lstm)
    return {
        "corr_index": corr_index,
        "rela_ht": rela_ht,
        "rela_ct": rela_ct,
        "nei_index": nei_index,
        "W_emb": W_emb,
        "b_emb": b_emb,
        "W_ih": W_ih,
        "b_ih": b_ih,
        "W_hh": W_hh,
        "b_hh": b_hh,
    }


def reference(corr_index, rela_ht, rela_ct, nei_index, W_emb, b_emb, W_ih, b_ih, W_hh, b_hh):
    # Faithful translation of RelationEncoder.forward (dropout is identity at dropratio=0).
    ped = corr_index.shape[0]
    corr_t = corr_index.reshape(ped * ped, 2)
    ht = rela_ht.reshape(ped * ped, H)
    ct = rela_ct.reshape(ped * ped, H)
    mask = (nei_index.reshape(-1) > 0)[:, None]

    # rela_embedding = ReLU(Linear(corr))
    emb = jax.nn.relu(corr_t @ W_emb.T + b_emb)
    # LSTMCell (PyTorch gate order: i, f, g, o). The torch code runs the cell only on
    # masked rows then scatters back; the cell is row-wise, so computing all rows and
    # selecting with `where` is mathematically identical.
    gates = emb @ W_ih.T + b_ih + ht @ W_hh.T + b_hh
    i_g = jax.nn.sigmoid(gates[:, 0 * H:1 * H])
    f_g = jax.nn.sigmoid(gates[:, 1 * H:2 * H])
    g_g = jnp.tanh(gates[:, 2 * H:3 * H])
    o_g = jax.nn.sigmoid(gates[:, 3 * H:4 * H])
    c_new = f_g * ct + i_g * g_g
    h_new = o_g * jnp.tanh(c_new)

    ht_out = jnp.where(mask, h_new, ht).reshape(ped, ped, H)
    ct_out = jnp.where(mask, c_new, ct).reshape(ped, ped, H)
    return (ht_out, ct_out)

if __name__ == "__main__":
    import jax
    _d = setup_inputs()
    print(jax.jit(kernel)(*tuple(_d.values())))

</pallas_src>

<mosaic_0001>
module attributes {stable_mosaic.version = 14 : i64} {
  func.func @_lstm_block(%arg0: i32, %arg1: memref<2048x2xf32, #tpu.memory_space<vmem>>, %arg2: memref<2048x64xf32, #tpu.memory_space<vmem>>, %arg3: memref<2048x64xf32, #tpu.memory_space<vmem>>, %arg4: memref<2048x1xf32, #tpu.memory_space<vmem>>, %arg5: memref<2x32xf32, #tpu.memory_space<vmem>>, %arg6: memref<1x32xf32, #tpu.memory_space<vmem>>, %arg7: memref<32x256xf32, #tpu.memory_space<vmem>>, %arg8: memref<64x256xf32, #tpu.memory_space<vmem>>, %arg9: memref<1x256xf32, #tpu.memory_space<vmem>>, %arg10: memref<2048x64xf32, #tpu.memory_space<vmem>>, %arg11: memref<2048x64xf32, #tpu.memory_space<vmem>>) attributes {dimension_semantics = [#tpu.dimension_semantics<arbitrary>], iteration_bounds = array<i64: 128>, scalar_prefetch = 0 : i64, scratch_operands = 0 : i64, tpu.core_type = #tpu.core_type<tc>, window_params = [{transform_indices = @transform_0, window_bounds = array<i64: 2048, 2>}, {transform_indices = @transform_1, window_bounds = array<i64: 2048, 64>}, {transform_indices = @transform_2, window_bounds = array<i64: 2048, 64>}, {transform_indices = @transform_3, window_bounds = array<i64: 2048, 1>}, {pipeline_mode = #tpu.pipeline_mode<synchronous>, transform_indices = @transform_4, window_bounds = array<i64: 2, 32>}, {pipeline_mode = #tpu.pipeline_mode<synchronous>, transform_indices = @transform_5, window_bounds = array<i64: 1, 32>}, {pipeline_mode = #tpu.pipeline_mode<synchronous>, transform_indices = @transform_6, window_bounds = array<i64: 32, 256>}, {pipeline_mode = #tpu.pipeline_mode<synchronous>, transform_indices = @transform_7, window_bounds = array<i64: 64, 256>}, {pipeline_mode = #tpu.pipeline_mode<synchronous>, transform_indices = @transform_8, window_bounds = array<i64: 1, 256>}, {transform_indices = @transform_9, window_bounds = array<i64: 2048, 64>}, {transform_indices = @transform_10, window_bounds = array<i64: 2048, 64>}]} {
    %get3A = arith.constant 0 : index
    %get3A_0 = arith.constant 0 : index
    %get3A_1 = vector.load %arg1[%get3A, %get3A_0] : memref<2048x2xf32, #tpu.memory_space<vmem>>, vector<2048x2xf32>
    %get3A_2 = arith.constant 0 : index
    %get3A_3 = arith.constant 0 : index
    %get3A_4 = vector.load %arg2[%get3A_2, %get3A_3] : memref<2048x64xf32, #tpu.memory_space<vmem>>, vector<2048x64xf32>
    %get3A_5 = arith.constant 0 : index
    %get3A_6 = arith.constant 0 : index
    %get3A_7 = vector.load %arg3[%get3A_5, %get3A_6] : memref<2048x64xf32, #tpu.memory_space<vmem>>, vector<2048x64xf32>
    %get3A_8 = arith.constant 0 : index
    %get3A_9 = arith.constant 0 : index
    %get3A_10 = vector.load %arg4[%get3A_8, %get3A_9] : memref<2048x1xf32, #tpu.memory_space<vmem>>, vector<2048x1xf32>
    %slice3A = vector.extract_strided_slice %get3A_1 {offsets = [0, 0], sizes = [2048, 1], strides = [1, 1]} : vector<2048x2xf32> to vector<2048x1xf32>
    %get3A_11 = arith.constant 0 : index
    %get3A_12 = arith.constant 0 : index
    %get3A_13 = vector.load %arg5[%get3A_11, %get3A_12] : memref<2x32xf32, #tpu.memory_space<vmem>>, vector<1x32xf32>
    %mul3A = vector.broadcast %slice3A : vector<2048x1xf32> to vector<2048x32xf32>
    %mul3A_14 = vector.broadcast %get3A_13 : vector<1x32xf32> to vector<2048x32xf32>
    %mul3A_15 = arith.mulf %mul3A, %mul3A_14 : vector<2048x32xf32>
    %slice3A_16 = vector.extract_strided_slice %get3A_1 {offsets = [0, 1], sizes = [2048, 1], strides = [1, 1]} : vector<2048x2xf32> to vector<2048x1xf32>
    %get3A_17 = arith.constant 1 : index
    %get3A_18 = arith.constant 0 : index
    %get3A_19 = vector.load %arg5[%get3A_17, %get3A_18] : memref<2x32xf32, #tpu.memory_space<vmem>>, vector<1x32xf32>
    %mul3A_20 = vector.broadcast %slice3A_16 : vector<2048x1xf32> to vector<2048x32xf32>
    %mul3A_21 = vector.broadcast %get3A_19 : vector<1x32xf32> to vector<2048x32xf32>
    %mul3A_22 = arith.mulf %mul3A_20, %mul3A_21 : vector<2048x32xf32>
    %add3A = arith.addf %mul3A_15, %mul3A_22 : vector<2048x32xf32>
    %get3A_23 = arith.constant 0 : index
    %get3A_24 = arith.constant 0 : index
    %get3A_25 = vector.load %arg6[%get3A_23, %get3A_24] : memref<1x32xf32, #tpu.memory_space<vmem>>, vector<1x32xf32>
    %add3A_26 = vector.broadcast %get3A_25 : vector<1x32xf32> to vector<2048x32xf32>
    %add3A_27 = arith.addf %add3A, %add3A_26 : vector<2048x32xf32>
    %max3A = arith.constant 0.000000e+00 : f32
    %max3A_28 = vector.broadcast %max3A : f32 to vector<2048x32xf32>
    %max3A_29 = arith.maximumf %add3A_27, %max3A_28 : vector<2048x32xf32>
    %get3A_30 = arith.constant 0 : index
    %get3A_31 = arith.constant 0 : index
    %get3A_32 = vector.load %arg7[%get3A_30, %get3A_31] : memref<32x256xf32, #tpu.memory_space<vmem>>, vector<32x256xf32>
    %dot_general3A = arith.constant dense<0.000000e+00> : vector<2048x256xf32>
    %dot_general3A_33 = tpu.matmul %max3A_29, %get3A_32, %dot_general3A {dimension_numbers = #tpu.dot_dimension_numbers<[1], [0], [0], [1], [0, 0, 1, 1], [], []>, transpose_lhs_hint = false} : vector<2048x32xf32>, vector<32x256xf32>, vector<2048x256xf32> -> vector<2048x256xf32>
    %get3A_34 = arith.constant 0 : index
    %get3A_35 = arith.constant 0 : index
    %get3A_36 = vector.load %arg8[%get3A_34, %get3A_35] : memref<64x256xf32, #tpu.memory_space<vmem>>, vector<64x256xf32>
    %dot_general3A_37 = arith.constant dense<0.000000e+00> : vector<2048x256xf32>
    %dot_general3A_38 = tpu.matmul %get3A_4, %get3A_36, %dot_general3A_37 {dimension_numbers = #tpu.dot_dimension_numbers<[1], [0], [0], [1], [0, 0, 1, 1], [], []>, transpose_lhs_hint = false} : vector<2048x64xf32>, vector<64x256xf32>, vector<2048x256xf32> -> vector<2048x256xf32>
    %add3A_39 = arith.addf %dot_general3A_33, %dot_general3A_38 : vector<2048x256xf32>
    %get3A_40 = arith.constant 0 : index
    %get3A_41 = arith.constant 0 : index
    %get3A_42 = vector.load %arg9[%get3A_40, %get3A_41] : memref<1x256xf32, #tpu.memory_space<vmem>>, vector<1x256xf32>
    %add3A_43 = vector.broadcast %get3A_42 : vector<1x256xf32> to vector<2048x256xf32>
    %add3A_44 = arith.addf %add3A_39, %add3A_43 : vector<2048x256xf32>
    %slice3A_45 = vector.extract_strided_slice %add3A_44 {offsets = [0, 0], sizes = [2048, 64], strides = [1, 1]} : vector<2048x256xf32> to vector<2048x64xf32>
    %logistic3A = arith.negf %slice3A_45 : vector<2048x64xf32>
    %logistic3A_46 = math.exp %logistic3A : vector<2048x64xf32>
    %logistic3A_47 = arith.constant 1.000000e+00 : f32
    %logistic3A_48 = vector.broadcast %logistic3A_47 : f32 to vector<2048x64xf32>
    %logistic3A_49 = arith.addf %logistic3A_48, %logistic3A_46 : vector<2048x64xf32>
    %logistic3A_50 = arith.divf %logistic3A_48, %logistic3A_49 : vector<2048x64xf32>
    %slice3A_51 = vector.extract_strided_slice %add3A_44 {offsets = [0, 64], sizes = [2048, 64], strides = [1, 1]} : vector<2048x256xf32> to vector<2048x64xf32>
    %logistic3A_52 = arith.negf %slice3A_51 : vector<2048x64xf32>
    %logistic3A_53 = math.exp %logistic3A_52 : vector<2048x64xf32>
    %logistic3A_54 = arith.constant 1.000000e+00 : f32
    %logistic3A_55 = vector.broadcast %logistic3A_54 : f32 to vector<2048x64xf32>
    %logistic3A_56 = arith.addf %logistic3A_55, %logistic3A_53 : vector<2048x64xf32>
    %logistic3A_57 = arith.divf %logistic3A_55, %logistic3A_56 : vector<2048x64xf32>
    %slice3A_58 = vector.extract_strided_slice %add3A_44 {offsets = [0, 128], sizes = [2048, 64], strides = [1, 1]} : vector<2048x256xf32> to vector<2048x64xf32>
    %tanh3A = math.tanh %slice3A_58 : vector<2048x64xf32>
    %slice3A_59 = vector.extract_strided_slice %add3A_44 {offsets = [0, 192], sizes = [2048, 64], strides = [1, 1]} : vector<2048x256xf32> to vector<2048x64xf32>
    %logistic3A_60 = arith.negf %slice3A_59 : vector<2048x64xf32>
    %logistic3A_61 = math.exp %logistic3A_60 : vector<2048x64xf32>
    %logistic3A_62 = arith.constant 1.000000e+00 : f32
    %logistic3A_63 = vector.broadcast %logistic3A_62 : f32 to vector<2048x64xf32>
    %logistic3A_64 = arith.addf %logistic3A_63, %logistic3A_61 : vector<2048x64xf32>
    %logistic3A_65 = arith.divf %logistic3A_63, %logistic3A_64 : vector<2048x64xf32>
    %mul3A_66 = arith.mulf %logistic3A_57, %get3A_7 : vector<2048x64xf32>
    %mul3A_67 = arith.mulf %logistic3A_50, %tanh3A : vector<2048x64xf32>
    %add3A_68 = arith.addf %mul3A_66, %mul3A_67 : vector<2048x64xf32>
    %tanh3A_69 = math.tanh %add3A_68 : vector<2048x64xf32>
    %mul3A_70 = arith.mulf %logistic3A_65, %tanh3A_69 : vector<2048x64xf32>
    %sub3A = arith.subf %mul3A_70, %get3A_4 : vector<2048x64xf32>
    %mul3A_71 = vector.broadcast %get3A_10 : vector<2048x1xf32> to vector<2048x64xf32>
    %mul3A_72 = arith.mulf %mul3A_71, %sub3A : vector<2048x64xf32>
    %add3A_73 = arith.addf %get3A_4, %mul3A_72 : vector<2048x64xf32>
    %swap3A = arith.constant 0 : index
    %swap3A_74 = arith.constant 0 : index
    %swap3A_75 = vector.load %arg10[%swap3A, %swap3A_74] : memref<2048x64xf32, #tpu.memory_space<vmem>>, vector<2048x64xf32>
    tpu.vector_store %arg10[%swap3A, %swap3A_74], %add3A_73 {strides = array<i32>} : memref<2048x64xf32, #tpu.memory_space<vmem>>, vector<2048x64xf32>,
    %sub3A_76 = arith.subf %add3A_68, %get3A_7 : vector<2048x64xf32>
    %mul3A_77 = vector.broadcast %get3A_10 : vector<2048x1xf32> to vector<2048x64xf32>
    %mul3A_78 = arith.mulf %mul3A_77, %sub3A_76 : vector<2048x64xf32>
    %add3A_79 = arith.addf %get3A_7, %mul3A_78 : vector<2048x64xf32>
    %swap3A_80 = arith.constant 0 : index
    %swap3A_81 = arith.constant 0 : index
    %swap3A_82 = vector.load %arg11[%swap3A_80, %swap3A_81] : memref<2048x64xf32, #tpu.memory_space<vmem>>, vector<2048x64xf32>
    tpu.vector_store %arg11[%swap3A_80, %swap3A_81], %add3A_79 {strides = array<i32>} : memref<2048x64xf32, #tpu.memory_space<vmem>>, vector<2048x64xf32>,
    return
  }
  func.func @transform_0(%arg0: i32) -> (i32, i32) {
    %c0_i32 = arith.constant 0 : i32
    %c0_i32_0 = arith.constant 0 : i32
    return %arg0, %c0_i32 : i32, i32
  }
  func.func @transform_1(%arg0: i32) -> (i32, i32) {
    %c0_i32 = arith.constant 0 : i32
    %c0_i32_0 = arith.constant 0 : i32
    return %arg0, %c0_i32 : i32, i32
  }
  func.func @transform_2(%arg0: i32) -> (i32, i32) {
    %c0_i32 = arith.constant 0 : i32
    %c0_i32_0 = arith.constant 0 : i32
    return %arg0, %c0_i32 : i32, i32
  }
  func.func @transform_3(%arg0: i32) -> (i32, i32) {
    %c0_i32 = arith.constant 0 : i32
    %c0_i32_0 = arith.constant 0 : i32
    return %arg0, %c0_i32 : i32, i32
  }
  func.func @transform_4(%arg0: i32) -> (i32, i32) {
    %c0_i32 = arith.constant 0 : i32
    %c0_i32_0 = arith.constant 0 : i32
    %c0_i32_1 = arith.constant 0 : i32
    return %c0_i32, %c0_i32_0 : i32, i32
  }
  func.func @transform_5(%arg0: i32) -> (i32, i32) {
    %c0_i32 = arith.constant 0 : i32
    %c0_i32_0 = arith.constant 0 : i32
    %c0_i32_1 = arith.constant 0 : i32
    return %c0_i32, %c0_i32_0 : i32, i32
  }
  func.func @transform_6(%arg0: i32) -> (i32, i32) {
    %c0_i32 = arith.constant 0 : i32
    %c0_i32_0 = arith.constant 0 : i32
    %c0_i32_1 = arith.constant 0 : i32
    return %c0_i32, %c0_i32_0 : i32, i32
  }
  func.func @transform_7(%arg0: i32) -> (i32, i32) {
    %c0_i32 = arith.constant 0 : i32
    %c0_i32_0 = arith.constant 0 : i32
    %c0_i32_1 = arith.constant 0 : i32
    return %c0_i32, %c0_i32_0 : i32, i32
  }
  func.func @transform_8(%arg0: i32) -> (i32, i32) {
    %c0_i32 = arith.constant 0 : i32
    %c0_i32_0 = arith.constant 0 : i32
    %c0_i32_1 = arith.constant 0 : i32
    return %c0_i32, %c0_i32_0 : i32, i32
  }
  func.func @transform_9(%arg0: i32) -> (i32, i32) {
    %c0_i32 = arith.constant 0 : i32
    %c0_i32_0 = arith.constant 0 : i32
    return %arg0, %c0_i32 : i32, i32
  }
  func.func @transform_10(%arg0: i32) -> (i32, i32) {
    %c0_i32 = arith.constant 0 : i32
    %c0_i32_0 = arith.constant 0 : i32
    return %arg0, %c0_i32 : i32, i32
  }
}

</mosaic_0001>

<sc_bundles>
// kernel: sparse-core-data-format-call.1.cloned.1.call-start
scs
called_computation.1_lowered:
.L_overlay_start_0:
0x0: {  	s2 =	sld [smem:$0x3FD9]  }
0x1: {  	s3 =	sld [smem:$0x3FFE];
	_ =	sdelay $0x1  }
0x2: {  	s1 =	srdreg.scid  }
0x3: {  	s0 =	sand.u32 $0x1, s1  }
0x4: {  	s16 =	sshll.u32 s0, $0xA;
	s2 =	sadd.s32 s3, s2  }
0x5: {  	s2 =	sadd.s32 s2, s16  }
0x6: {  	[smem:$0x3FBE] =	sst s2  }
0x7: {  	_ = 	snop  }
0x8: {  	s2 =	sld [smem:$0x3FD0];
	_ =	sdelay $0x2  }
0x9: {  	s17 =	simm.s32 $0xB;
	s4 =	simm.s32 $0x10  }
0xa: {  	[smem:s4], [sflag:s17] =	dma.local [hbm:s2], $0x1  }
0xb: {  	_ =	swait.eq [sflag:s17], $0x1  }
0xc: {  	[sflag:s17] =	ssyncset.done $0x0  }
0xd: {  	[sflag:s17] =	ssyncadd.s32 $0xFFFFFFFF  }
0xe: {  	s18 =	sld [smem:$0x10];
	(tm) =	ssettm $0x1  }
0xf: {  	s19 =	sld [smem:$0x3FFB];
	_ =	sdelay $0x3  }
0x10: {  	_ =	strace s19  }
0x11: {  	s2 =	sld [smem:$0x3FFC];
	_ =	sdelay $0x3  }
0x12: {  	_ =	strace s2  }
0x13: {  	s2 =	sld [smem:$0x3FFD];
	_ =	sdelay $0x3  }
0x14: {  	_ =	strace s2  }
0x15: {  	_ =	strace $0x8FFFFFFF  }
0x16: {  	s20 =	sld [smem:$0x3FDB];
	_ =	sdelay $0x1  }
0x17: {  	s21 =	simm.s32 $_scs_section_size  }
0x18: {  	s5 =	simm.s32 $_size__tile_overlayer_lowered;
	s6 =	simm.s32 $_tile_overlayer_lowered  }
0x19: {  	s7 =	simm.s32 $0x1BFF;
	s22 =	sshll.u32 s6, $0x1;
	s4 =	sadd.s32 s21, s20  }
0x1a: {  	s23 =	simm.s32 $0x0;
	s5 =	sshll.u32 s5, $0x1;
	s6 =	sadd.s32 s22, s4  }
0x1b: {  	[timem:s23], [sflag:s7] =	dma.local [hbm:s6], s5  }
0x1c: {  	_ =	swait.ge [sflag:s7], s5  }
0x1d: {  	s5 =	ssub.s32 $0x0, s5;
	[sflag:s7] =	ssyncset.done $0x0  }
0x1e: {  	[sflag:s7] =	ssyncadd.s32 s5;
	_ =	sdelay $0x1  }
0x1f: {  	s24 =	simm.s32 $0x1B8B  }
0x20: {  	_ =	swait.ge [sflag:s24], $0x1  }
0x21: {  	[sflag:s24] =	ssyncset.done $0x0  }
0x22: {  	[sflag:s24] =	ssyncadd.s32 $0xFFFFFFFF  }
0x23: {  	s5 =	sld [smem:$0x0]  }
0x24: {  	s6 =	sand.u32 $0xFFFFFFFE, s1  }
0x25: {  	p0 =	sne.s32 s1, s6  }
0x26: {  	s6 =	sshll.u32 @p0 s6, $0xE  }
0x27: {  	s6 =	sadd.s32 @p0 $0x11B8D, s6;
	s7 =	sshll.u32 @p0 s5, $0x11  }
0x28: {  	s6 =	sor.u32 @p0 s7, s6  }
0x29: {  	[sflag:s6] =	ssyncadd.remote.s32 @p0 $0x1;
	_ =	sdelay $0x1  }
0x2a: {  	s6 =	simm.s32 @p0 $0x1B8D  }
0x2b: {  	_ =	swait.eq @p0 [sflag:s6], $0x1  }
0x2c: {  	[sflag:s6] =	ssyncadd.s32 @p0 $0xFFFFFFFF  }
0x2d: {  	s7 =	sshll.u32 @!p0 s1, $0xE  }
0x2e: {  	s7 =	sor.u32 @!p0 $0x4000, s7;
	s6 =	simm.s32 @!p0 $0x1B8D  }
0x2f: {  	s5 =	sshll.u32 @!p0 s5, $0x11;
	s7 =	sadd.s32 @!p0 $0x11B8D, s7;
	_ =	swait.eq @!p0 [sflag:s6], $0x1  }
0x30: {  	s5 =	sor.u32 @!p0 s5, s7;
	[sflag:s6] =	ssyncadd.s32 @!p0 $0xFFFFFFFF  }
0x31: {  	s26 =	simm.s32 $0x1B8E;
	s25 =	sld [smem:$0x3FFE];
	[sflag:s5] =	ssyncadd.remote.s32 @!p0 $0x1  }
0x32: {  	s27 =	simm.s32 $execute0_lowered;
	[smem:$0x3FD2] =	sst s26  }
0x33: {  	s6 =	sshll.u32 s27, $0x1;
	_ =	strace $0x80000049;
	[dreg:$0x1] =	wrdreg $0xFFFFFFFF  }
0x34: {  	s28 =	simm.s32 $_size_execute0_lowered;
	s4 =	sadd.s32 s4, s6;
	[dreg:$0x0] =	wrdreg $0x0  }
0x35: {  	s6 =	sshll.u32 s28, $0x1;
	[dreg:$0x2] =	wrdreg s4  }
0x36: {  	[dreg:$0x3] =	wrdreg s6  }
0x37: {  	[dreg:$0x4] =	wrdreg $0xC0  }
0x38: {  	_ =	task [dreg:s23], $0x5FFFF  }
0x39: {  	[dreg:$0x1] =	wrdreg $0xFFFFFFFF  }
0x3a: {  	[dreg:$0x0] =	wrdreg $0x60  }
0x3b: {  	[dreg:$0x2] =	wrdreg s25  }
0x3c: {  	[dreg:$0x3] =	wrdreg s18  }
0x3d: {  	[dreg:$0x4] =	wrdreg $0xA  }
0x3e: {  	_ =	task.clear_ibuf [dreg:s23], $0x5FFFF;
	_ =	strace $0x90000049  }
0x3f: {  	s29 =	simm.s32 $0xA;
	_ =	strace $0x8000004B  }
0x40: {  	_ =	swait.ge [sflag:s29], $0x1  }
0x41: {  	[sflag:s29] =	ssyncadd.s32 $0xFFFFFFFF  }
0x42: {  	_ =	strace $0x9000004B  }
0x43: {  	_ =	sfence  }
0x44: {  	s30 =	sld [smem:$0x0];
	_ =	sdelay $0x2  }
0x45: {  	s31 =	sshll.u32 s1, $0xD;
	s1 =	sshrl.u32 s1, $0x2  }
0x46: {  	s4 =	sand.u32 $0x4000, s31;
	s1 =	sadd.s32 s1, s30  }
0x47: {  	s0 =	sor.u32 s4, s0;
	s1 =	sshll.u32 s1, $0x11  }
0x48: {  	s0 =	sor.u32 s1, s0  }
0x49: {  	s0 =	sadd.s32 $0x8F2B, s0  }
0x4a: {  	[sflag:s0] =	ssyncadd.remote.s32 $0x1  }
0x4b: {  	_ =	sfence.sel $0xFFFF  }
0x4c: {  	[dreg:$0x0] =	wrdreg $0xFFFFFFFF;
	(pc) =	sbr.abs _section_cstart, $3  }
0x4d: {  	[dreg:$0x1] =	wrdreg $0xFFFFFFFF  }
0x4e: {  	_ =	task.clear_ibuf [dreg:s23], $0x2FFFF;
	_ =	strace $0x9FFFFFFF  }
0x4f: {  	(tm) =	ssettm $0x7FFFFFFF  }
tec
execute0_lowered:
.L_overlay_start_1:
0x0: {  	(tag) =	ssettag $0x1  }
0x1: {  	s0 =	srdreg.scid  }
0x2: {  	s7 =	rddreg [dreg:$0x0];
	s1 =	sshll.u32 s0, $0x4  }
0x3: {  	s3 =	rddreg [dreg:$0x1];
	s0 =	stileid.u32;
	s1 =	sand.u32 $0x10, s1  }
0x4: {  	s6 =	simm.s32 $0x1;
	s31 =	simm.s32 $0x2;
	s1 =	sor.u32 s0, s1  }
0x5: {  	s13 =	simm.s32 $0x0;
	s9 =	simm.s32 $0x1000;
	s2 =	sshll.u32 s1, $0x1  }
0x6: {  	s14 =	simm.s32 $0x0;
	s10 =	simm.s32 $0x0;
	s4 =	ssub.s32 $0x200, s2  }
0x7: {  	s12 =	simm.s32 $0x0;
	s1 =	rddreg [dreg:$0x2];
	s5 =	sand.u32 $0x3E, s4  }
.Ltmp0:
0x8: {  	_ =	strace $0x8000004A;
	p0 =	sne.s32 s5, $0x0;
	(pc) =	sbr.rel .LBB1_1-.Ltmp0, $4  }
0x9: {  	s11 =	smov.u32 s2;
	s8 =	sshrl.u32 s4, $0x6;
	s6 =	simm.s32 @!p0 $0x0  }
0xa: {  	s4 =	sadd.s32 $0x1401800, s7;
	s5 =	simm.s32 $0x1;
	s6 =	sadd.s32 s6, s8  }
0xb: {  	s7 =	sadd.s32 $0x1403800, s7;
	[sflag:s5] =	ssyncpa.u1 $0x0;
	s6 =	sshll.u32 s6, $0x2  }
0xc: {  	p0 =	por $0x0, $0x0;
	[sflag:s31] =	ssyncpa.u1 $0x0;
	s8 =	sor.u32 $0x1, s6  }
.LBB1_7:
0xd: {  	s15 =	sadd.s32 $0x80, s10  }
0xe: {  	s13 =	sadd.s32 $0x40, s11;
	s17 =	smov.u32 s11;
	p2 =	sgt.s32 s15, $0x1FF  }
0xf: {  	s17 =	smov.u32 @p2 s13  }
0x10: {  	s15 =	simm.s32 @p2 $0x0;
	p2 =	sgt.s32 s17, $0x1FF  }
0x11: {  	s17 =	smov.u32 @p2 s2;
	p2 =	sne.s32 s12, s8  }
.Ltmp1:
0x12: {  	p1 =	slt.u32 s12, $0x2;
	(pc) =	sbr.rel @!p2 .LBB1_8-.Ltmp1, $4  }
0x13: {  	s16 =	simm.s32 @!p1 $0x2  }
0x14: {  	s14 =	smov.u32 s11;
	p0 =	por !p0, !p0;
	_ =	swait.ge @!p1 [sflag:s16], $0x4000  }
0x15: {  	s13 =	smov.u32 s10;
	[sflag:s16] =	ssyncset.done @!p1 $0x0;
	s10 =	smov.u32 s15  }
0x16: {  	s12 =	sadd.s32 $0x1, s12;
	[sflag:s16] =	ssyncadd.s32 @!p1 $0xFFFFC000;
	s11 =	smov.u32 s17  }
.LBB1_1:
0x17: {  	p1 =	sge.u32 s12, s6  }
0x18: {  	s15 =	sxor.u32 @!p1 $0xFFFFFFFF, s12;
	s16 =	sshll.u32 @!p1 s11, $0xD  }
0x19: {  	s17 =	sshll.u32 @!p1 s10, $0x4;
	s19 =	simm.s32 @!p1 $0x40;
	s20 =	simm.s32 @!p1 $0x80  }
0x1a: {  	s15 =	sshll.u32 @!p1 s15, $0xE;
	s17 =	sand.u32 @!p1 $0x1FF0, s17;
	s18 =	sadd.s32 @!p1 s4, s16  }
0x1b: {  	s16 =	sadd.s32 @!p1 s16, s7;
	s15 =	sand.u32 @!p1 $0x4000, s15;
	s18 =	sadd.s32 @!p1 s17, s18  }
0x1c: {  	[tilespmem:s15], [sflag:$0x1] =	stream.strided.gather @!p1 [hbm4b:s18+s19], $0x2000, s20, s19, $0x38;
	[tilespmem:$0x10100] =	vst v63  }
0x1d: {  	s31 =	sadd.s32 $0xFFFFFFFF, s12;
	s16 =	sadd.s32 @!p1 s17, s16;
	s15 =	sor.u32 @!p1 $0x2000, s15  }
0x1e: {  	[tilespmem:s15], [sflag:$0x1] =	stream.strided.gather @!p1 [hbm4b:s16+s19], $0x2000, s20, s19, $0x38;
	[tilespmem:$0x10100] =	vst v63  }
0x1f: {  	p1 =	sge.u32 s31, s6  }
.Ltmp2:
0x20: {  	_ = 	snop;
	(pc) =	sbr.rel @p1 .LBB1_7-.Ltmp2, $1  }
0x21: {  	_ =	sdelay $0x3  }
0x22: {  	s15 =	simm.s32 $0x1;
	s17 =	sand.u32 $0x1, s12  }
0x23: {  	_ =	swait.ge [sflag:s5], $0x4000;
	s15 =	simm.s32 @!p0 $0x0;
	s17 =	smul.u32 $0x10200, s17  }
0x24: {  	p2 =	por $0x1, $0x1;
	[sflag:s5] =	ssyncset.done $0x0;
	s16 =	smul.u32 $0x10200, s15  }
0x25: {  	s18 =	sshll.u32 s15, $0x10;
	[sflag:s5] =	ssyncadd.s32 $0xFFFFC000;
	s30 =	sshrl.u32 s17, $0x2  }
0x26: {  	s31 =	sshrl.u32 s18, $0x2;
	s18 =	simm.s32 $0x0;
	s16 =	sshrl.u32 s16, $0x2  }
0x27: {  	s15 =	sor.u32 $0x8000, s30;
	s17 =	sadd.s32 $0x20, s31;
	s16 =	sor.u32 $0x8000, s16  }
.LBB1_3:
0x28: {  	s19 =	sshll.u32 s18, $0xD  }
0x29: {  	s19 =	sand.u32 $0x3FFFE000, s19  }
0x2a: {  	s21 =	sadd.s32 s19, s17  }
0x2b: {  	s31 =	smul.u32 $0x8100, s18;
	v3 =	vld [tilespmem:s21+$0x10]  }
0x2c: {  	v1 =	vld [tilespmem:s21+$0xFFFFFFF0]  }
0x2d: {  	s18 =	sshra.s32 s31, $0x2;
	v0 =	vld [tilespmem:s21+$0x0]  }
0x2e: {  	s18 =	sadd.s32 s18, s16;
	v2 =	vld [tilespmem:s21+$0xFFFFFFE0]  }
0x2f: {  	s19 =	sadd.s32 $0x0, s18  }
0x30: {  	p1 =	por p2, p2;
	s20 =	simm.s32 $0x4;
	s21 =	sadd.s32 $0x40, s21;
	[tilespmem:s19+$0x1830 ss:$0x81] =	vst.msk $0xffff, v3  }
.LBB1_4:
0x31: {  	v3 =	vld [tilespmem:s21+$0x10];
	p2 =	sne.s32 s20, $0x1FC;
	[tilespmem:s19+$0x810 ss:$0x81] =	vst.msk $0xffff, v1;
	s22 =	smov.u32 s20;
	s20 =	sadd.s32 $0x4, s20  }
.Ltmp3:
0x32: {  	v1 =	vld [tilespmem:s21+$0xFFFFFFF0];
	[tilespmem:s19+$0x1020 ss:$0x81] =	vst.msk $0xffff, v0;
	(pc) =	sbr.rel @p2 .LBB1_4-.Ltmp3, $4  }
0x33: {  	v0 =	vld [tilespmem:s21+$0x0];
	[tilespmem:s19+$0x0 ss:$0x81] =	vst.msk $0xffff, v2  }
0x34: {  	s19 =	sshra.s32 s22, $0x2;
	v2 =	vld [tilespmem:s21+$0xFFFFFFE0]  }
0x35: {  	s19 =	sadd.s32 s19, s18  }
0x36: {  	s21 =	sadd.s32 $0x40, s21;
	[tilespmem:s19+$0x1830 ss:$0x81] =	vst.msk $0xffff, v3  }
.Ltmp4:
0x37: {  	(pc) =	sbr.rel @p1 .LBB1_3-.Ltmp4, $4  }
0x38: {  	_ = 	snop  }
0x39: {  	[tilespmem:s19+$0x810 ss:$0x81] =	vst.msk $0xffff, v1  }
0x3a: {  	[tilespmem:s19+$0x1020 ss:$0x81] =	vst.msk $0xffff, v0  }
0x3b: {  	s18 =	simm.s32 $0x1;
	p2 =	por $0x0, $0x0;
	[tilespmem:s19+$0x0 ss:$0x81] =	vst.msk $0xffff, v2  }
.Ltmp5:
0x3c: {  	s16 =	sand.u32 $0xF80, s13;
	s14 =	sshll.u32 s14, $0xC;
	(pc) =	sbr.rel .LBB1_7-.Ltmp5, $4  }
0x3d: {  	s17 =	sshrl.u32 s13, $0x3;
	s31 =	sand.u32 $0x7, s13;
	s14 =	sadd.s32 s3, s14  }
0x3e: {  	s17 =	sand.u32 $0xF, s17;
	s13 =	sshll.u32 s31, $0x12;
	s14 =	sadd.s32 s16, s14  }
0x3f: {  	s13 =	sor.u32 $0x400, s13;
	s14 =	sadd.s32 s17, s14  }
0x40: {  	[hbm4b:s14+s13] =	stream.strided.scatter [tilespmem:s15], [sflag:$0x2], $0x4000, s9, s13, $0x20;
	[tilespmem:$0x10100] =	vst v63  }
.LBB1_8:
0x41: {  	_ =	sfence.sel $0x180000  }
0x42: {  	s2 =	simm.s32 $0x1;
	[bflag:$0x0] =	sbarrier.arrive $0xFFFF  }
0x43: {  	s31 =	simm.s32 $0x2;
	[sflag:s2] =	ssyncpa.u1 $0x1  }
0x44: {  	[sflag:s31] =	ssyncpa.u1 $0x1  }
0x45: {  	p0 =	sne.s32 s0, $0x0;
	_ =	strace $0x9000004A  }
0x46: {  	s0 =	sadd.s32 @!p0 $0x100000, s1;
	[bflag:$0x2] =	sbarrier.arrive $0xFFFF  }
0x47: {  	[sflag:s0] =	ssyncadd.tile.s32 @!p0 $0x1;
	_ =	shalt  }
.Lfunc_end1:
_tile_overlayer_lowered:
.L_overlay_start_2:
0x48: {  	(tag) =	ssettag $0x2  }
0x49: {  	s0 =	rddreg [dreg:$0x0];
	s2 =	stileid.u32  }
0x4a: {  	s1 =	rddreg [dreg:$0x1];
	p0 =	sne.s32 s2, $0x0  }
0x4b: {  	s3 =	rddreg [dreg:$0x2];
	[bflag:$0x3] =	sbarrier.arrive $0xFFFF;
	s2 =	simm.s32 @!p0 $0x1C01  }
0x4c: {  	[timem:s3], [sflag:s2] =	dma.local @!p0 [hbm:s0], s1  }
0x4d: {  	s0 =	simm.s32 @!p0 $0x1  }
0x4e: {  	_ =	swait.ge @!p0 [sflag:s0], s1  }
0x4f: {  	s1 =	ssub.s32 @!p0 $0x0, s1;
	[sflag:s0] =	ssyncset.done @!p0 $0x0  }
0x50: {  	[sflag:s0] =	ssyncadd.s32 @!p0 s1  }
0x51: {  	[bflag:$0x3] =	sbarrier.arrive $0xFFFF  }
0x52: {  	_ =	shalt  }

// kernel: sparse-core-data-format-call.cloned.1.call-start
scs
called_computation_lowered:
.L_overlay_start_0:
0x0: {  	s2 =	sld [smem:$0x3FD9]  }
0x1: {  	s3 =	sld [smem:$0x3FFE];
	_ =	sdelay $0x1  }
0x2: {  	s1 =	srdreg.scid  }
0x3: {  	s0 =	sand.u32 $0x1, s1  }
0x4: {  	s15 =	sshll.u32 s0, $0xA;
	s2 =	sadd.s32 s3, s2  }
0x5: {  	s2 =	sadd.s32 s2, s15  }
0x6: {  	[smem:$0x3FBE] =	sst s2  }
0x7: {  	_ = 	snop  }
0x8: {  	s2 =	sld [smem:$0x3FD0];
	_ =	sdelay $0x2  }
0x9: {  	s16 =	simm.s32 $0xB;
	s4 =	simm.s32 $0x10  }
0xa: {  	[smem:s4], [sflag:s16] =	dma.local [hbm:s2], $0x1  }
0xb: {  	_ =	swait.eq [sflag:s16], $0x1  }
0xc: {  	[sflag:s16] =	ssyncset.done $0x0  }
0xd: {  	[sflag:s16] =	ssyncadd.s32 $0xFFFFFFFF  }
0xe: {  	s17 =	sld [smem:$0x11];
	(tm) =	ssettm $0x1  }
0xf: {  	s18 =	sld [smem:$0x3FFB];
	_ =	sdelay $0x3  }
0x10: {  	_ =	strace s18  }
0x11: {  	s3 =	sld [smem:$0x3FFC];
	_ =	sdelay $0x3  }
0x12: {  	_ =	strace s3  }
0x13: {  	s3 =	sld [smem:$0x3FFD];
	_ =	sdelay $0x3  }
0x14: {  	_ =	strace s3  }
0x15: {  	_ =	strace $0x8FFFFFFF  }
0x16: {  	s19 =	sld [smem:$0x3FDB];
	_ =	sdelay $0x1  }
0x17: {  	s20 =	simm.s32 $_scs_section_size  }
0x18: {  	s5 =	simm.s32 $_size__tile_overlayer_lowered;
	s6 =	simm.s32 $_tile_overlayer_lowered  }
0x19: {  	s23 =	simm.s32 $0x1BFF;
	s22 =	sshll.u32 s6, $0x1;
	s3 =	sadd.s32 s20, s19  }
0x1a: {  	s7 =	simm.s32 $0x0;
	s21 =	sshll.u32 s5, $0x1;
	s5 =	sadd.s32 s22, s3  }
0x1b: {  	[timem:s7], [sflag:s23] =	dma.local [hbm:s5], s21  }
0x1c: {  	_ =	swait.ge [sflag:s23], s21  }
0x1d: {  	s4 =	ssub.s32 $0x0, s21;
	[sflag:s23] =	ssyncset.done $0x0  }
0x1e: {  	[sflag:s23] =	ssyncadd.s32 s4;
	_ =	sdelay $0x1  }
0x1f: {  	s24 =	simm.s32 $0x1B8B  }
0x20: {  	_ =	swait.ge [sflag:s24], $0x1  }
0x21: {  	[sflag:s24] =	ssyncset.done $0x0  }
0x22: {  	s26 =	simm.s32 $0x1B8E;
	s25 =	sld [smem:$0x3FFE];
	[sflag:s24] =	ssyncadd.s32 $0xFFFFFFFF  }
0x23: {  	s27 =	simm.s32 $execute0_lowered;
	[smem:$0x3FD2] =	sst s26  }
0x24: {  	s5 =	sshll.u32 s27, $0x1;
	_ =	strace $0x80000046;
	[dreg:$0x1] =	wrdreg $0xFFFFFFFF  }
0x25: {  	s28 =	simm.s32 $_size_execute0_lowered;
	s3 =	sadd.s32 s3, s5;
	[dreg:$0x0] =	wrdreg $0x0  }
0x26: {  	s5 =	sshll.u32 s28, $0x1;
	[dreg:$0x2] =	wrdreg s3  }
0x27: {  	[dreg:$0x3] =	wrdreg s5  }
0x28: {  	[dreg:$0x4] =	wrdreg $0xC0  }
0x29: {  	_ =	task [dreg:s7], $0x5FFFF  }
0x2a: {  	[dreg:$0x1] =	wrdreg $0xFFFFFFFF  }
0x2b: {  	[dreg:$0x0] =	wrdreg $0x60  }
0x2c: {  	[dreg:$0x2] =	wrdreg s25  }
0x2d: {  	[dreg:$0x3] =	wrdreg s17  }
0x2e: {  	[dreg:$0x4] =	wrdreg $0x9  }
0x2f: {  	_ =	task.clear_ibuf [dreg:s7], $0x5FFFF;
	_ =	strace $0x90000046  }
0x30: {  	s29 =	simm.s32 $0x9;
	_ =	strace $0x80000048  }
0x31: {  	_ =	swait.ge [sflag:s29], $0x1  }
0x32: {  	[sflag:s29] =	ssyncadd.s32 $0xFFFFFFFF  }
0x33: {  	_ =	strace $0x90000048  }
0x34: {  	_ =	sfence  }
0x35: {  	s30 =	sld [smem:$0x0];
	_ =	sdelay $0x2  }
0x36: {  	s31 =	sshll.u32 s1, $0xD;
	s1 =	sshrl.u32 s1, $0x2  }
0x37: {  	s3 =	sand.u32 $0x4000, s31;
	s1 =	sadd.s32 s1, s30  }
0x38: {  	s0 =	sor.u32 s3, s0;
	s1 =	sshll.u32 s1, $0x11  }
0x39: {  	s0 =	sor.u32 s1, s0  }
0x3a: {  	s0 =	sadd.s32 $0x8F2B, s0  }
0x3b: {  	[sflag:s0] =	ssyncadd.remote.s32 $0x1  }
0x3c: {  	_ =	sfence.sel $0xFFFF  }
0x3d: {  	[dreg:$0x0] =	wrdreg $0xFFFFFFFF;
	(pc) =	sbr.abs _section_cstart, $3  }
0x3e: {  	[dreg:$0x1] =	wrdreg $0xFFFFFFFF  }
0x3f: {  	_ =	task.clear_ibuf [dreg:s7], $0x2FFFF;
	_ =	strace $0x9FFFFFFF  }
0x40: {  	(tm) =	ssettm $0x7FFFFFFF  }
0x41: {  	_ =	shalt  }
tec
execute0_lowered:
.L_overlay_start_1:
0x0: {  	(tag) =	ssettag $0x1  }
0x1: {  	s0 =	srdreg.scid  }
0x2: {  	s7 =	rddreg [dreg:$0x0];
	s1 =	sshll.u32 s0, $0x4  }
0x3: {  	s3 =	rddreg [dreg:$0x1];
	s0 =	stileid.u32;
	s1 =	sand.u32 $0x10, s1  }
0x4: {  	s6 =	simm.s32 $0x1;
	s31 =	simm.s32 $0x2;
	s1 =	sor.u32 s0, s1  }
0x5: {  	s13 =	simm.s32 $0x0;
	s9 =	simm.s32 $0x1000;
	s2 =	sshll.u32 s1, $0x1  }
0x6: {  	s14 =	simm.s32 $0x0;
	s10 =	simm.s32 $0x0;
	s4 =	ssub.s32 $0x200, s2  }
0x7: {  	s12 =	simm.s32 $0x0;
	s1 =	rddreg [dreg:$0x2];
	s5 =	sand.u32 $0x3E, s4  }
.Ltmp0:
0x8: {  	_ =	strace $0x80000047;
	p0 =	sne.s32 s5, $0x0;
	(pc) =	sbr.rel .LBB1_1-.Ltmp0, $4  }
0x9: {  	s11 =	smov.u32 s2;
	s8 =	sshrl.u32 s4, $0x6;
	s6 =	simm.s32 @!p0 $0x0  }
0xa: {  	s4 =	sadd.s32 $0x1001800, s7;
	s5 =	simm.s32 $0x1;
	s6 =	sadd.s32 s6, s8  }
0xb: {  	s7 =	sadd.s32 $0x1003800, s7;
	[sflag:s5] =	ssyncpa.u1 $0x0;
	s6 =	sshll.u32 s6, $0x2  }
0xc: {  	p0 =	por $0x0, $0x0;
	[sflag:s31] =	ssyncpa.u1 $0x0;
	s8 =	sor.u32 $0x1, s6  }
.LBB1_7:
0xd: {  	s15 =	sadd.s32 $0x80, s10  }
0xe: {  	s13 =	sadd.s32 $0x40, s11;
	s17 =	smov.u32 s11;
	p2 =	sgt.s32 s15, $0x1FF  }
0xf: {  	s17 =	smov.u32 @p2 s13  }
0x10: {  	s15 =	simm.s32 @p2 $0x0;
	p2 =	sgt.s32 s17, $0x1FF  }
0x11: {  	s17 =	smov.u32 @p2 s2;
	p2 =	sne.s32 s12, s8  }
.Ltmp1:
0x12: {  	p1 =	slt.u32 s12, $0x2;
	(pc) =	sbr.rel @!p2 .LBB1_8-.Ltmp1, $4  }
0x13: {  	s16 =	simm.s32 @!p1 $0x2  }
0x14: {  	s14 =	smov.u32 s11;
	p0 =	por !p0, !p0;
	_ =	swait.ge @!p1 [sflag:s16], $0x4000  }
0x15: {  	s13 =	smov.u32 s10;
	[sflag:s16] =	ssyncset.done @!p1 $0x0;
	s10 =	smov.u32 s15  }
0x16: {  	s12 =	sadd.s32 $0x1, s12;
	[sflag:s16] =	ssyncadd.s32 @!p1 $0xFFFFC000;
	s11 =	smov.u32 s17  }
.LBB1_1:
0x17: {  	p1 =	sge.u32 s12, s6  }
0x18: {  	s15 =	sxor.u32 @!p1 $0xFFFFFFFF, s12;
	s16 =	sshll.u32 @!p1 s11, $0xD  }
0x19: {  	s17 =	sshll.u32 @!p1 s10, $0x4;
	s19 =	simm.s32 @!p1 $0x40;
	s20 =	simm.s32 @!p1 $0x80  }
0x1a: {  	s15 =	sshll.u32 @!p1 s15, $0xE;
	s17 =	sand.u32 @!p1 $0x1FF0, s17;
	s18 =	sadd.s32 @!p1 s4, s16  }
0x1b: {  	s16 =	sadd.s32 @!p1 s16, s7;
	s15 =	sand.u32 @!p1 $0x4000, s15;
	s18 =	sadd.s32 @!p1 s17, s18  }
0x1c: {  	[tilespmem:s15], [sflag:$0x1] =	stream.strided.gather @!p1 [hbm4b:s18+s19], $0x2000, s20, s19, $0x38;
	[tilespmem:$0x10100] =	vst v63  }
0x1d: {  	s31 =	sadd.s32 $0xFFFFFFFF, s12;
	s16 =	sadd.s32 @!p1 s17, s16;
	s15 =	sor.u32 @!p1 $0x2000, s15  }
0x1e: {  	[tilespmem:s15], [sflag:$0x1] =	stream.strided.gather @!p1 [hbm4b:s16+s19], $0x2000, s20, s19, $0x38;
	[tilespmem:$0x10100] =	vst v63  }
0x1f: {  	p1 =	sge.u32 s31, s6  }
.Ltmp2:
0x20: {  	_ = 	snop;
	(pc) =	sbr.rel @p1 .LBB1_7-.Ltmp2, $1  }
0x21: {  	_ =	sdelay $0x3  }
0x22: {  	s15 =	simm.s32 $0x1;
	s17 =	sand.u32 $0x1, s12  }
0x23: {  	_ =	swait.ge [sflag:s5], $0x4000;
	s15 =	simm.s32 @!p0 $0x0;
	s17 =	smul.u32 $0x10200, s17  }
0x24: {  	p2 =	por $0x1, $0x1;
	[sflag:s5] =	ssyncset.done $0x0;
	s16 =	smul.u32 $0x10200, s15  }
0x25: {  	s18 =	sshll.u32 s15, $0x10;
	[sflag:s5] =	ssyncadd.s32 $0xFFFFC000;
	s30 =	sshrl.u32 s17, $0x2  }
0x26: {  	s31 =	sshrl.u32 s18, $0x2;
	s18 =	simm.s32 $0x0;
	s16 =	sshrl.u32 s16, $0x2  }
0x27: {  	s15 =	sor.u32 $0x8000, s30;
	s17 =	sadd.s32 $0x20, s31;
	s16 =	sor.u32 $0x8000, s16  }
.LBB1_3:
0x28: {  	s19 =	sshll.u32 s18, $0xD  }
0x29: {  	s19 =	sand.u32 $0x3FFFE000, s19  }
0x2a: {  	s21 =	sadd.s32 s19, s17  }
0x2b: {  	s31 =	smul.u32 $0x8100, s18;
	v3 =	vld [tilespmem:s21+$0x10]  }
0x2c: {  	v1 =	vld [tilespmem:s21+$0xFFFFFFF0]  }
0x2d: {  	s18 =	sshra.s32 s31, $0x2;
	v0 =	vld [tilespmem:s21+$0x0]  }
0x2e: {  	s18 =	sadd.s32 s18, s16;
	v2 =	vld [tilespmem:s21+$0xFFFFFFE0]  }
0x2f: {  	s19 =	sadd.s32 $0x0, s18  }
0x30: {  	p1 =	por p2, p2;
	s20 =	simm.s32 $0x4;
	s21 =	sadd.s32 $0x40, s21;
	[tilespmem:s19+$0x1830 ss:$0x81] =	vst.msk $0xffff, v3  }
.LBB1_4:
0x31: {  	v3 =	vld [tilespmem:s21+$0x10];
	p2 =	sne.s32 s20, $0x1FC;
	[tilespmem:s19+$0x810 ss:$0x81] =	vst.msk $0xffff, v1;
	s22 =	smov.u32 s20;
	s20 =	sadd.s32 $0x4, s20  }
.Ltmp3:
0x32: {  	v1 =	vld [tilespmem:s21+$0xFFFFFFF0];
	[tilespmem:s19+$0x1020 ss:$0x81] =	vst.msk $0xffff, v0;
	(pc) =	sbr.rel @p2 .LBB1_4-.Ltmp3, $4  }
0x33: {  	v0 =	vld [tilespmem:s21+$0x0];
	[tilespmem:s19+$0x0 ss:$0x81] =	vst.msk $0xffff, v2  }
0x34: {  	s19 =	sshra.s32 s22, $0x2;
	v2 =	vld [tilespmem:s21+$0xFFFFFFE0]  }
0x35: {  	s19 =	sadd.s32 s19, s18  }
0x36: {  	s21 =	sadd.s32 $0x40, s21;
	[tilespmem:s19+$0x1830 ss:$0x81] =	vst.msk $0xffff, v3  }
.Ltmp4:
0x37: {  	(pc) =	sbr.rel @p1 .LBB1_3-.Ltmp4, $4  }
0x38: {  	_ = 	snop  }
0x39: {  	[tilespmem:s19+$0x810 ss:$0x81] =	vst.msk $0xffff, v1  }
0x3a: {  	[tilespmem:s19+$0x1020 ss:$0x81] =	vst.msk $0xffff, v0  }
0x3b: {  	s18 =	simm.s32 $0x1;
	p2 =	por $0x0, $0x0;
	[tilespmem:s19+$0x0 ss:$0x81] =	vst.msk $0xffff, v2  }
.Ltmp5:
0x3c: {  	s16 =	sand.u32 $0xF80, s13;
	s14 =	sshll.u32 s14, $0xC;
	(pc) =	sbr.rel .LBB1_7-.Ltmp5, $4  }
0x3d: {  	s17 =	sshrl.u32 s13, $0x3;
	s31 =	sand.u32 $0x7, s13;
	s14 =	sadd.s32 s3, s14  }
0x3e: {  	s17 =	sand.u32 $0xF, s17;
	s13 =	sshll.u32 s31, $0x12;
	s14 =	sadd.s32 s16, s14  }
0x3f: {  	s13 =	sor.u32 $0x400, s13;
	s14 =	sadd.s32 s17, s14  }
0x40: {  	[hbm4b:s14+s13] =	stream.strided.scatter [tilespmem:s15], [sflag:$0x2], $0x4000, s9, s13, $0x20;
	[tilespmem:$0x10100] =	vst v63  }
.LBB1_8:
0x41: {  	_ =	sfence.sel $0x180000  }
0x42: {  	s2 =	simm.s32 $0x1;
	[bflag:$0x0] =	sbarrier.arrive $0xFFFF  }
0x43: {  	s31 =	simm.s32 $0x2;
	[sflag:s2] =	ssyncpa.u1 $0x1  }
0x44: {  	[sflag:s31] =	ssyncpa.u1 $0x1  }
0x45: {  	p0 =	sne.s32 s0, $0x0;
	_ =	strace $0x90000047  }
0x46: {  	s0 =	sadd.s32 @!p0 $0x100000, s1;
	[bflag:$0x2] =	sbarrier.arrive $0xFFFF  }
0x47: {  	[sflag:s0] =	ssyncadd.tile.s32 @!p0 $0x1;
	_ =	shalt  }
.Lfunc_end1:
_tile_overlayer_lowered:
.L_overlay_start_2:
0x48: {  	(tag) =	ssettag $0x2  }
0x49: {  	s0 =	rddreg [dreg:$0x0];
	s2 =	stileid.u32  }
0x4a: {  	s1 =	rddreg [dreg:$0x1];
	p0 =	sne.s32 s2, $0x0  }
0x4b: {  	s3 =	rddreg [dreg:$0x2];
	[bflag:$0x3] =	sbarrier.arrive $0xFFFF;
	s2 =	simm.s32 @!p0 $0x1C01  }
0x4c: {  	[timem:s3], [sflag:s2] =	dma.local @!p0 [hbm:s0], s1  }
0x4d: {  	s0 =	simm.s32 @!p0 $0x1  }
0x4e: {  	_ =	swait.ge @!p0 [sflag:s0], s1  }
0x4f: {  	s1 =	ssub.s32 @!p0 $0x0, s1;
	[sflag:s0] =	ssyncset.done @!p0 $0x0  }
0x50: {  	[sflag:s0] =	ssyncadd.s32 @!p0 s1  }
0x51: {  	[bflag:$0x3] =	sbarrier.arrive $0xFFFF  }
0x52: {  	_ =	shalt  }

</sc_bundles>
